<compile_context>
chip_gen: v7x
topology: tpu7x:2x2x1
jax: 0.10.2.dev20260603
libtpu: 0.0.44.dev20260713+nightly
codegen_flags: <defaults>
</compile_context>

<pallas_src>
import functools

import jax
import jax.numpy as jnp
from jax import lax
from jax.experimental import pallas as pl
from jax.experimental.pallas import tpu as pltpu
from jax.experimental.pallas import tpu_sc as plsc

_B, _N, _F, _C = 8, 2048, 512, 32
_NSPLIT = 2
_BLK = _N // _NSPLIT
_NW = 32
_RPW = (_B * _C) // _NW


def _half_argmax(w, x, iota, base):
    scores_t = jax.lax.dot_general(
        w, x, (((1,), (1,)), ((), ())),
        preferred_element_type=jnp.float32,
    )
    hmax = jnp.max(scores_t, axis=1, keepdims=True)
    hidx = jnp.min(
        jnp.where(scores_t == hmax, iota, _BLK), axis=1, keepdims=True
    ) + base
    return hmax, hidx


def _score_kernel(xa_ref, xb_ref, w_ref, idx_ref):
    w = w_ref[...]
    iota = jax.lax.broadcasted_iota(jnp.int32, (_C, _BLK), 1)
    amax, aidx = _half_argmax(w, xa_ref[0], iota, 0)
    bmax, bidx = _half_argmax(w, xb_ref[0], iota, _BLK)
    better = bmax > amax
    idx_ref[0] = jnp.where(better, bidx, aidx) + pl.program_id(0) * _N


def _score(x, W):
    return pl.pallas_call(
        _score_kernel,
        grid=(_B,),
        in_specs=[
            pl.BlockSpec((1, _BLK, _F), lambda i: (i, 0, 0)),
            pl.BlockSpec((1, _BLK, _F), lambda i: (i, 1, 0)),
            pl.BlockSpec((_C, _F), lambda i: (0, 0)),
        ],
        out_specs=pl.BlockSpec((1, _C, 1), lambda i: (i, 0, 0)),
        out_shape=jax.ShapeDtypeStruct((_B, _C, 1), jnp.int32),
    )(x, x, W)


def _sc_gather_kernel(x_ref, i_ref, d_ref, idx_v, rows_v, sem):
    wid = lax.axis_index("s") * 2 + lax.axis_index("c")
    base = wid * _RPW
    pltpu.sync_copy(i_ref.at[pl.ds(base, _RPW)], idx_v)
    pltpu.async_copy(x_ref.at[idx_v], rows_v, sem).wait()
    pltpu.sync_copy(rows_v, d_ref.at[pl.ds(base, _RPW)])


@functools.cache
def _sc_gather_call():
    mesh = plsc.VectorSubcoreMesh(core_axis_name="c", subcore_axis_name="s")
    return pl.kernel(
        _sc_gather_kernel,
        out_type=jax.ShapeDtypeStruct((_B * _C, _F), jnp.float32),
        mesh=mesh,
        scratch_types=[
            pltpu.VMEM((_RPW,), jnp.int32),
            pltpu.VMEM((_RPW, _F), jnp.float32),
            pltpu.SemaphoreType.DMA,
        ],
    )


def kernel(x1, x2, W, b):
    del b
    gather = _sc_gather_call()
    idx1 = _score(x1, W)
    d = gather(x1.reshape(_B * _N, _F), idx1.reshape(_B * _C))
    idx2 = _score(x2, W)
    d1 = gather(x2.reshape(_B * _N, _F), idx2.reshape(_B * _C))
    return (d.reshape(_B, _C, _F), d1.reshape(_B, _C, _F))

# --- scband reference (transcript-rebuilt; emitter-appended) ---
"""Pipeline reference for scband-select-class-max-79182017069248 (READ-ONLY COPY).

The authoritative reference and input builder live on the scoring server;
editing this copy changes nothing except your own understanding.
"""

import jax, jax.numpy as jnp
import numpy as np


def setup_inputs(seed: int = 0) -> dict:
    key = jax.random.key(seed)
    k1, k2, k3, k4 = jax.random.split(key, 4)
    B, N, F, C = 8, 2048, 512, 32
    x1 = jax.random.normal(k1, (B, N, F), dtype=jnp.float32)
    x2 = jax.random.normal(k2, (B, N, F), dtype=jnp.float32)
    # nn.Linear(feature_size, output_class) parameters
    W = jax.random.normal(k3, (C, F), dtype=jnp.float32) * (1.0 / np.sqrt(F))
    b = jax.random.normal(k4, (C,), dtype=jnp.float32) * 0.01
    return {"x1": x1, "x2": x2, "W": W, "b": b}


def _select_class_max(x, W, b):
    # x: [B, N, F] -> scores: [B, N, C]
    out = jnp.einsum('bnf,cf->bnc', x, W) + b  # fc; dropout p=0.0 is identity
    # torch.sort(out[i], 0, descending=True)[1][0, :] == per-class argmax over N
    idx = jnp.argmax(out, axis=1)  # [B, C]
    # gather the max-scoring instance's original features for each class
    d = jnp.take_along_axis(x, idx[:, :, None], axis=1)  # [B, C, F]
    return d


def reference(x1, x2, W, b):
    d = _select_class_max(x1, W, b)
    d1 = _select_class_max(x2, W, b)
    return (d, d1)

if __name__ == "__main__":
    import jax
    _d = setup_inputs()
    print(jax.jit(kernel)(*tuple(_d.values())))

</pallas_src>

<mosaic_0001>
#map = affine_map<(d0, d1) -> (0, 0)>
#map1 = affine_map<(d0, d1) -> (0)>
module attributes {stable_mosaic.version = 14 : i64} {
  func.func @_sc_gather_kernel(%arg0: i32, %arg1: i32, %arg2: memref<16384x512xf32, #tpu.memory_space<hbm>>, %arg3: memref<256xi32, #tpu.memory_space<hbm>>, %arg4: memref<256x512xf32, #tpu.memory_space<hbm>>, %arg5: memref<8xi32, #tpu.memory_space<vmem>>, %arg6: memref<8x512xf32, #tpu.memory_space<vmem>>, %arg7: memref<!tpu.dma_semaphore, #tpu.memory_space<semaphore_mem>>) attributes {dimension_semantics = [#tpu.dimension_semantics<core_parallel>, #tpu.dimension_semantics<subcore_parallel>], iteration_bounds = array<i64: 2, 16>, scalar_prefetch = 0 : i64, scratch_operands = 3 : i64, tpu.core_type = #tpu.core_type<sc_vector_subcore>, window_params = [{transform_indices = #map}, {transform_indices = #map1}, {transform_indices = #map}]} {
    %mul3A = arith.constant 2 : i32
    %mul3A_0 = arith.muli %arg1, %mul3A : i32
    %add3A = arith.addi %mul3A_0, %arg0 : i32
    %mul3A_1 = arith.constant 8 : i32
    %mul3A_2 = arith.muli %add3A, %mul3A_1 : i32
    "tpu.region"() ({
      %run_scoped3A = tpu.sem_alloc : memref<!tpu.dma_semaphore, #tpu.memory_space<semaphore_mem>>
      %dma_start3A_7 = tpu.memref_slice %arg3[%mul3A_2] : memref<256xi32, #tpu.memory_space<hbm>> -> memref<8xi32, #tpu.memory_space<hbm>>
      %dma_start3A_8 = tpu.memref_slice %arg3[%mul3A_2] : memref<256xi32, #tpu.memory_space<hbm>> -> memref<8xi32, #tpu.memory_space<hbm>>
      tpu.enqueue_dma source(%dma_start3A_8 : memref<8xi32, #tpu.memory_space<hbm>>) target(%arg5 : memref<8xi32, #tpu.memory_space<vmem>>) target_semaphore(%run_scoped3A : memref<!tpu.dma_semaphore, #tpu.memory_space<semaphore_mem>>)
      %dma_wait3A_9 = tpu.memref_slice %arg3[%mul3A_2] : memref<256xi32, #tpu.memory_space<hbm>> -> memref<8xi32, #tpu.memory_space<hbm>>
      %dma_wait3A_10 = tpu.memref_slice %arg3[%mul3A_2] : memref<256xi32, #tpu.memory_space<hbm>> -> memref<8xi32, #tpu.memory_space<hbm>>
      tpu.wait_dma2 semaphore(%run_scoped3A : memref<!tpu.dma_semaphore, #tpu.memory_space<semaphore_mem>>) src(%dma_wait3A_10 : memref<8xi32, #tpu.memory_space<hbm>>) dst(%arg5 : memref<8xi32, #tpu.memory_space<vmem>>)
      tpu.yield
    }) : () -> ()
    %dma_start3A = arith.constant 0 : i32
    %dma_start3A_3 = arith.constant 0 : i32
    %dma_start3A_4 = tpu.memref_slice %arg2[%dma_start3A, %dma_start3A_3] : memref<16384x512xf32, #tpu.memory_space<hbm>> -> memref<16384x512xf32, #tpu.memory_space<hbm>>
    tpu.enqueue_indirect_dma source(%dma_start3A_4 : memref<16384x512xf32, #tpu.memory_space<hbm>>) target(%arg6 : memref<8x512xf32, #tpu.memory_space<vmem>>) offsets(%arg5 : memref<8xi32, #tpu.memory_space<vmem>>) semaphore(%arg7 : memref<!tpu.dma_semaphore, #tpu.memory_space<semaphore_mem>>)
    %dma_wait3A = arith.constant 0 : i32
    %dma_wait3A_5 = arith.constant 0 : i32
    %dma_wait3A_6 = tpu.memref_slice %arg2[%dma_wait3A, %dma_wait3A_5] : memref<16384x512xf32, #tpu.memory_space<hbm>> -> memref<16384x512xf32, #tpu.memory_space<hbm>>
    tpu.wait_indirect_dma semaphore(%arg7 : memref<!tpu.dma_semaphore, #tpu.memory_space<semaphore_mem>>) src(%dma_wait3A_6 : memref<16384x512xf32, #tpu.memory_space<hbm>>) dst(%arg6 : memref<8x512xf32, #tpu.memory_space<vmem>>)
    "tpu.region"() ({
      %run_scoped3A = tpu.sem_alloc : memref<!tpu.dma_semaphore, #tpu.memory_space<semaphore_mem>>
      %dma_start3A_7 = arith.constant 0 : i32
      %dma_start3A_8 = tpu.memref_slice %arg4[%mul3A_2, %dma_start3A_7] : memref<256x512xf32, #tpu.memory_space<hbm>> -> memref<8x512xf32, #tpu.memory_space<hbm>>
      %dma_start3A_9 = arith.constant 0 : i32
      %dma_start3A_10 = tpu.memref_slice %arg4[%mul3A_2, %dma_start3A_9] : memref<256x512xf32, #tpu.memory_space<hbm>> -> memref<8x512xf32, #tpu.memory_space<hbm>>
      tpu.enqueue_dma source(%arg6 : memref<8x512xf32, #tpu.memory_space<vmem>>) target(%dma_start3A_10 : memref<8x512xf32, #tpu.memory_space<hbm>>) target_semaphore(%run_scoped3A : memref<!tpu.dma_semaphore, #tpu.memory_space<semaphore_mem>>)
      %dma_wait3A_11 = arith.constant 0 : i32
      %dma_wait3A_12 = tpu.memref_slice %arg4[%mul3A_2, %dma_wait3A_11] : memref<256x512xf32, #tpu.memory_space<hbm>> -> memref<8x512xf32, #tpu.memory_space<hbm>>
      %dma_wait3A_13 = arith.constant 0 : i32
      %dma_wait3A_14 = tpu.memref_slice %arg4[%mul3A_2, %dma_wait3A_13] : memref<256x512xf32, #tpu.memory_space<hbm>> -> memref<8x512xf32, #tpu.memory_space<hbm>>
      tpu.wait_dma2 semaphore(%run_scoped3A : memref<!tpu.dma_semaphore, #tpu.memory_space<semaphore_mem>>) src(%arg6 : memref<8x512xf32, #tpu.memory_space<vmem>>) dst(%dma_wait3A_14 : memref<8x512xf32, #tpu.memory_space<hbm>>)
      tpu.yield
    }) : () -> ()
    return
  }
}

#map = affine_map<(d0, d1) -> (0, 0)>
#map1 = affine_map<(d0, d1) -> (0)>
module attributes {stable_mosaic.version = 14 : i64} {
  func.func @_sc_gather_kernel(%arg0: i32, %arg1: i32, %arg2: memref<16384x512xf32, #tpu.memory_space<hbm>>, %arg3: memref<256xi32, #tpu.memory_space<hbm>>, %arg4: memref<256x512xf32, #tpu.memory_space<hbm>>, %arg5: memref<8xi32, #tpu.memory_space<vmem>>, %arg6: memref<8x512xf32, #tpu.memory_space<vmem>>, %arg7: memref<!tpu.dma_semaphore, #tpu.memory_space<semaphore_mem>>) attributes {dimension_semantics = [#tpu.dimension_semantics<core_parallel>, #tpu.dimension_semantics<subcore_parallel>], iteration_bounds = array<i64: 2, 16>, scalar_prefetch = 0 : i64, scratch_operands = 3 : i64, tpu.core_type = #tpu.core_type<sc_vector_subcore>, window_params = [{transform_indices = #map}, {transform_indices = #map1}, {transform_indices = #map}]} {
    %mul3A = arith.constant 2 : i32
    %mul3A_0 = arith.muli %arg1, %mul3A : i32
    %add3A = arith.addi %mul3A_0, %arg0 : i32
    %mul3A_1 = arith.constant 8 : i32
    %mul3A_2 = arith.muli %add3A, %mul3A_1 : i32
    "tpu.region"() ({
      %run_scoped3A = tpu.sem_alloc : memref<!tpu.dma_semaphore, #tpu.memory_space<semaphore_mem>>
      %dma_start3A_7 = tpu.memref_slice %arg3[%mul3A_2] : memref<256xi32, #tpu.memory_space<hbm>> -> memref<8xi32, #tpu.memory_space<hbm>>
      %dma_start3A_8 = tpu.memref_slice %arg3[%mul3A_2] : memref<256xi32, #tpu.memory_space<hbm>> -> memref<8xi32, #tpu.memory_space<hbm>>
      tpu.enqueue_dma source(%dma_start3A_8 : memref<8xi32, #tpu.memory_space<hbm>>) target(%arg5 : memref<8xi32, #tpu.memory_space<vmem>>) target_semaphore(%run_scoped3A : memref<!tpu.dma_semaphore, #tpu.memory_space<semaphore_mem>>)
      %dma_wait3A_9 = tpu.memref_slice %arg3[%mul3A_2] : memref<256xi32, #tpu.memory_space<hbm>> -> memref<8xi32, #tpu.memory_space<hbm>>
      %dma_wait3A_10 = tpu.memref_slice %arg3[%mul3A_2] : memref<256xi32, #tpu.memory_space<hbm>> -> memref<8xi32, #tpu.memory_space<hbm>>
      tpu.wait_dma2 semaphore(%run_scoped3A : memref<!tpu.dma_semaphore, #tpu.memory_space<semaphore_mem>>) src(%dma_wait3A_10 : memref<8xi32, #tpu.memory_space<hbm>>) dst(%arg5 : memref<8xi32, #tpu.memory_space<vmem>>)
      tpu.yield
    }) : () -> ()
    %dma_start3A = arith.constant 0 : i32
    %dma_start3A_3 = arith.constant 0 : i32
    %dma_start3A_4 = tpu.memref_slice %arg2[%dma_start3A, %dma_start3A_3] : memref<16384x512xf32, #tpu.memory_space<hbm>> -> memref<16384x512xf32, #tpu.memory_space<hbm>>
    tpu.enqueue_indirect_dma source(%dma_start3A_4 : memref<16384x512xf32, #tpu.memory_space<hbm>>) target(%arg6 : memref<8x512xf32, #tpu.memory_space<vmem>>) offsets(%arg5 : memref<8xi32, #tpu.memory_space<vmem>>) semaphore(%arg7 : memref<!tpu.dma_semaphore, #tpu.memory_space<semaphore_mem>>)
    %dma_wait3A = arith.constant 0 : i32
    %dma_wait3A_5 = arith.constant 0 : i32
    %dma_wait3A_6 = tpu.memref_slice %arg2[%dma_wait3A, %dma_wait3A_5] : memref<16384x512xf32, #tpu.memory_space<hbm>> -> memref<16384x512xf32, #tpu.memory_space<hbm>>
    tpu.wait_indirect_dma semaphore(%arg7 : memref<!tpu.dma_semaphore, #tpu.memory_space<semaphore_mem>>) src(%dma_wait3A_6 : memref<16384x512xf32, #tpu.memory_space<hbm>>) dst(%arg6 : memref<8x512xf32, #tpu.memory_space<vmem>>)
    "tpu.region"() ({
      %run_scoped3A = tpu.sem_alloc : memref<!tpu.dma_semaphore, #tpu.memory_space<semaphore_mem>>
      %dma_start3A_7 = arith.constant 0 : i32
      %dma_start3A_8 = tpu.memref_slice %arg4[%mul3A_2, %dma_start3A_7] : memref<256x512xf32, #tpu.memory_space<hbm>> -> memref<8x512xf32, #tpu.memory_space<hbm>>
      %dma_start3A_9 = arith.constant 0 : i32
      %dma_start3A_10 = tpu.memref_slice %arg4[%mul3A_2, %dma_start3A_9] : memref<256x512xf32, #tpu.memory_space<hbm>> -> memref<8x512xf32, #tpu.memory_space<hbm>>
      tpu.enqueue_dma source(%arg6 : memref<8x512xf32, #tpu.memory_space<vmem>>) target(%dma_start3A_10 : memref<8x512xf32, #tpu.memory_space<hbm>>) target_semaphore(%run_scoped3A : memref<!tpu.dma_semaphore, #tpu.memory_space<semaphore_mem>>)
      %dma_wait3A_11 = arith.constant 0 : i32
      %dma_wait3A_12 = tpu.memref_slice %arg4[%mul3A_2, %dma_wait3A_11] : memref<256x512xf32, #tpu.memory_space<hbm>> -> memref<8x512xf32, #tpu.memory_space<hbm>>
      %dma_wait3A_13 = arith.constant 0 : i32
      %dma_wait3A_14 = tpu.memref_slice %arg4[%mul3A_2, %dma_wait3A_13] : memref<256x512xf32, #tpu.memory_space<hbm>> -> memref<8x512xf32, #tpu.memory_space<hbm>>
      tpu.wait_dma2 semaphore(%run_scoped3A : memref<!tpu.dma_semaphore, #tpu.memory_space<semaphore_mem>>) src(%arg6 : memref<8x512xf32, #tpu.memory_space<vmem>>) dst(%dma_wait3A_14 : memref<8x512xf32, #tpu.memory_space<hbm>>)
      tpu.yield
    }) : () -> ()
    return
  }
}

module attributes {stable_mosaic.version = 14 : i64} {
  func.func @_score_kernel(%arg0: i32, %arg1: memref<1x1024x512xf32, #tpu.memory_space<vmem>>, %arg2: memref<1x1024x512xf32, #tpu.memory_space<vmem>>, %arg3: memref<32x512xf32, #tpu.memory_space<vmem>>, %arg4: memref<1x32x1xi32, #tpu.memory_space<vmem>>) attributes {dimension_semantics = [#tpu.dimension_semantics<arbitrary>], iteration_bounds = array<i64: 8>, scalar_prefetch = 0 : i64, scratch_operands = 0 : i64, tpu.core_type = #tpu.core_type<tc>, window_params = [{transform_indices = @transform_0, window_bounds = array<i64: 1, 1024, 512>}, {transform_indices = @transform_1, window_bounds = array<i64: 1, 1024, 512>}, {pipeline_mode = #tpu.pipeline_mode<synchronous>, transform_indices = @transform_2, window_bounds = array<i64: 32, 512>}, {transform_indices = @transform_3, window_bounds = array<i64: 1, 32, 1>}]} {
    %get3A = arith.constant 0 : index
    %get3A_0 = arith.constant 0 : index
    %get3A_1 = vector.load %arg3[%get3A, %get3A_0] : memref<32x512xf32, #tpu.memory_space<vmem>>, vector<32x512xf32>
    %iota3A = tpu.iota {dimensions = array<i32: 1>} : vector<32x1024xi32>
    %get3A_2 = arith.constant 0 : index
    %get3A_3 = arith.constant 0 : index
    %get3A_4 = arith.constant 0 : index
    %get3A_5 = vector.load %arg1[%get3A_2, %get3A_3, %get3A_4] : memref<1x1024x512xf32, #tpu.memory_space<vmem>>, vector<1x1024x512xf32>
    %get3A_6 = vector.shape_cast %get3A_5 : vector<1x1024x512xf32> to vector<1024x512xf32>
    %dot_general3A = arith.constant dense<0.000000e+00> : vector<32x1024xf32>
    %dot_general3A_7 = tpu.matmul %get3A_1, %get3A_6, %dot_general3A {dimension_numbers = #tpu.dot_dimension_numbers<[1], [1], [0], [0], [0, 0, 1, 0], [], []>, transpose_lhs_hint = false} : vector<32x512xf32>, vector<1024x512xf32>, vector<32x1024xf32> -> vector<32x1024xf32>
    %reduce_max3A = arith.constant dense<0xFF800000> : vector<32xf32>
    %reduce_max3A_8 = vector.multi_reduction <maximumf>, %dot_general3A_7, %reduce_max3A [1] : vector<32x1024xf32> to vector<32xf32>
    %broadcast_in_dim3A = vector.shape_cast %reduce_max3A_8 : vector<32xf32> to vector<32x1xf32>
    %eq3A = vector.broadcast %broadcast_in_dim3A : vector<32x1xf32> to vector<32x1024xf32>
    %eq3A_9 = arith.cmpf oeq, %dot_general3A_7, %eq3A : vector<32x1024xf32>
    %jit3A = arith.constant 1024 : i32
    %broadcast_in_dim3A_10 = vector.broadcast %jit3A : i32 to vector<32x1024xi32>
    %select_n3A = arith.select %eq3A_9, %iota3A, %broadcast_in_dim3A_10 : vector<32x1024xi1>, vector<32x1024xi32>
    %reduce_min3A = arith.constant dense<2147483647> : vector<32xi32>
    %reduce_min3A_11 = vector.multi_reduction <minsi>, %select_n3A, %reduce_min3A [1] : vector<32x1024xi32> to vector<32xi32>
    %broadcast_in_dim3A_12 = vector.shape_cast %reduce_min3A_11 : vector<32xi32> to vector<32x1xi32>
    %add3A = arith.constant 0 : i32
    %add3A_13 = vector.broadcast %add3A : i32 to vector<32x1xi32>
    %add3A_14 = arith.addi %broadcast_in_dim3A_12, %add3A_13 : vector<32x1xi32>
    %get3A_15 = arith.constant 0 : index
    %get3A_16 = arith.constant 0 : index
    %get3A_17 = arith.constant 0 : index
    %get3A_18 = vector.load %arg2[%get3A_15, %get3A_16, %get3A_17] : memref<1x1024x512xf32, #tpu.memory_space<vmem>>, vector<1x1024x512xf32>
    %get3A_19 = vector.shape_cast %get3A_18 : vector<1x1024x512xf32> to vector<1024x512xf32>
    %dot_general3A_20 = arith.constant dense<0.000000e+00> : vector<32x1024xf32>
    %dot_general3A_21 = tpu.matmul %get3A_1, %get3A_19, %dot_general3A_20 {dimension_numbers = #tpu.dot_dimension_numbers<[1], [1], [0], [0], [0, 0, 1, 0], [], []>, transpose_lhs_hint = false} : vector<32x512xf32>, vector<1024x512xf32>, vector<32x1024xf32> -> vector<32x1024xf32>
    %reduce_max3A_22 = arith.constant dense<0xFF800000> : vector<32xf32>
    %reduce_max3A_23 = vector.multi_reduction <maximumf>, %dot_general3A_21, %reduce_max3A_22 [1] : vector<32x1024xf32> to vector<32xf32>
    %broadcast_in_dim3A_24 = vector.shape_cast %reduce_max3A_23 : vector<32xf32> to vector<32x1xf32>
    %eq3A_25 = vector.broadcast %broadcast_in_dim3A_24 : vector<32x1xf32> to vector<32x1024xf32>
    %eq3A_26 = arith.cmpf oeq, %dot_general3A_21, %eq3A_25 : vector<32x1024xf32>
    %jit3A_27 = arith.constant 1024 : i32
    %broadcast_in_dim3A_28 = vector.broadcast %jit3A_27 : i32 to vector<32x1024xi32>
    %select_n3A_29 = arith.select %eq3A_26, %iota3A, %broadcast_in_dim3A_28 : vector<32x1024xi1>, vector<32x1024xi32>
    %reduce_min3A_30 = arith.constant dense<2147483647> : vector<32xi32>
    %reduce_min3A_31 = vector.multi_reduction <minsi>, %select_n3A_29, %reduce_min3A_30 [1] : vector<32x1024xi32> to vector<32xi32>
    %broadcast_in_dim3A_32 = vector.shape_cast %reduce_min3A_31 : vector<32xi32> to vector<32x1xi32>
    %add3A_33 = arith.constant 1024 : i32
    %add3A_34 = vector.broadcast %add3A_33 : i32 to vector<32x1xi32>
    %add3A_35 = arith.addi %broadcast_in_dim3A_32, %add3A_34 : vector<32x1xi32>
    %gt3A = arith.cmpf ogt, %broadcast_in_dim3A_24, %broadcast_in_dim3A : vector<32x1xf32>
    %select_n3A_36 = arith.select %gt3A, %add3A_35, %add3A_14 : vector<32x1xi1>, vector<32x1xi32>
    %mul3A = arith.constant 2048 : i32
    %mul3A_37 = arith.muli %arg0, %mul3A : i32
    %add3A_38 = vector.broadcast %mul3A_37 : i32 to vector<32x1xi32>
    %add3A_39 = arith.addi %select_n3A_36, %add3A_38 : vector<32x1xi32>
    %swap3A = arith.constant 0 : index
    %swap3A_40 = arith.constant 0 : index
    %swap3A_41 = arith.constant 0 : index
    %swap3A_42 = vector.load %arg4[%swap3A, %swap3A_40, %swap3A_41] : memref<1x32x1xi32, #tpu.memory_space<vmem>>, vector<1x32x1xi32>
    %swap3A_43 = vector.shape_cast %swap3A_42 : vector<1x32x1xi32> to vector<32x1xi32>
    %swap3A_44 = vector.shape_cast %add3A_39 : vector<32x1xi32> to vector<1x32x1xi32>
    tpu.vector_store %arg4[%swap3A, %swap3A_40, %swap3A_41], %swap3A_44 {strides = array<i32>} : memref<1x32x1xi32, #tpu.memory_space<vmem>>, vector<1x32x1xi32>,
    return
  }
  func.func @transform_0(%arg0: i32) -> (i32, i32, i32) {
    %c0_i32 = arith.constant 0 : i32
    %c0_i32_0 = arith.constant 0 : i32
    %c0_i32_1 = arith.constant 0 : i32
    return %arg0, %c0_i32, %c0_i32_0 : i32, i32, i32
  }
  func.func @transform_1(%arg0: i32) -> (i32, i32, i32) {
    %c1_i32 = arith.constant 1 : i32
    %c0_i32 = arith.constant 0 : i32
    %c0_i32_0 = arith.constant 0 : i32
    return %arg0, %c1_i32, %c0_i32 : i32, i32, i32
  }
  func.func @transform_2(%arg0: i32) -> (i32, i32) {
    %c0_i32 = arith.constant 0 : i32
    %c0_i32_0 = arith.constant 0 : i32
    %c0_i32_1 = arith.constant 0 : i32
    return %c0_i32, %c0_i32_0 : i32, i32
  }
  func.func @transform_3(%arg0: i32) -> (i32, i32, i32) {
    %c0_i32 = arith.constant 0 : i32
    %c0_i32_0 = arith.constant 0 : i32
    %c0_i32_1 = arith.constant 0 : i32
    return %arg0, %c0_i32, %c0_i32_0 : i32, i32, i32
  }
}

</mosaic_0001>

<sc_bundles>
// kernel: kernel.6.cloned.1.call-start
scs
__scs_entry_jumppad:
0x0: {  	(pc) =	sbr.rel $0x88, $3  }
0x1: {  	(tag) =	ssettag $0x0;
	lr =	simm.s32 $0x1  }
0x2: {  	[smem:$0x3F9E] =	sst lr;
	_ =	strace $0xD0000000  }
0x3: {  	_ = 	snop  }
0x4: {  	_ = 	snop  }
0x5: {  	_ = 	snop  }
0x6: {  	_ = 	snop  }
0x7: {  	_ = 	snop  }
__scs_overlays_trampoline_lowered:
0x8: {  	[smem:$0x3FAD] =	sst s0  }
0x9: {  	[smem:$0x3FAE] =	sst s1  }
0xa: {  	[smem:$0x3FAF] =	sst s2  }
0xb: {  	[smem:$0x3FB0] =	sst s3  }
0xc: {  	[smem:$0x3FB1] =	sst s4  }
0xd: {  	[smem:$0x3FB2] =	sst s5  }
0xe: {  	[smem:$0x3FB3] =	sst s6  }
0xf: {  	[smem:$0x3FB4] =	sst s7  }
0x10: {  	[smem:$0x3FB5] =	sst s8  }
0x11: {  	[smem:$0x3FB6] =	sst s9;
	s0 =	simm.s32 @!p0 $0x0  }
0x12: {  	s1 =	sld [smem:$0x3F9C];
	s0 =	simm.s32 @p0 $0x1  }
0x13: {  	[smem:$0x3FB7] =	sst s0;
	s0 =	simm.s32 @!p1 $0x0  }
0x14: {  	s2 =	sld [smem:$0x3F9B];
	s0 =	simm.s32 @p1 $0x1  }
0x15: {  	[smem:$0x3FB8] =	sst s0;
	s0 =	simm.s32 @!p2 $0x0  }
0x16: {  	s3 =	sld [smem:$0x3FDB];
	s0 =	simm.s32 @p2 $0x1  }
0x17: {  	s4 =	simm.s32 $0x1BF5;
	[smem:$0x3FBA] =	sst s0  }
0x18: {  	s0 =	sld [smem:$0x3F9D];
	_ =	swait.ge [sflag:s4], $0x0  }
0x19: {  	s7 =	sld [smem:$0x3F9E]  }
0x1a: {  	s8 =	sadd.s32 $0xFFFFE003, lr  }
0x1b: {  	s9 =	sadd.s32 $0xFFFFFEF7, lr;
	s5 =	simm.s32 $0xFFFFFFFF;
	p2 =	slt.u32 s8, $0xFFFFF086  }
0x1c: {  	p1 =	slt.u32 s9, $0xF7A;
	s5 =	simm.s32 @!p2 $0x0  }
0x1d: {  	s5 =	simm.s32 @p1 $0x1;
	p0 =	seq.s32 s7, s2  }
0x1e: {  	s7 =	smul.u32 @!p0 $0xF7A, s2;
	p2 =	seq.s32 @!p0 s5, $0x0  }
0x1f: {  	s9 =	smul.u32 $0xF7A, s1;
	s8 =	simm.s32 @!p0 $0x1BF5;
	p2 =	por !p2, p0  }
0x20: {  	[sflag:s8] =	ssyncset.s32 @!p0 $0xFFFFF086;
	s6 =	sadd.s32 @!p0 s3, s7;
	s7 =	simm.s32 @!p0 $0x108  }
0x21: {  	s3 =	sadd.s32 s3, s9;
	s6 =	sadd.s32 @!p0 $0x88, s6;
	s7 =	simm.s32 @p2 $0x1082  }
0x22: {  	[simem:s7], [sflag:s8] =	dma.local @!p0 [hbm:s6], $0xF7A  }
0x23: {  	s9 =	sor.u32 $0xD0000000, s2;
	s6 =	simm.s32 $0x108;
	_ =	swait.ge @!p0 [sflag:s8], $0x0  }
0x24: {  	s3 =	sadd.s32 $0x88, s3;
	s6 =	simm.s32 @!p1 $0x1082;
	[sflag:s4] =	ssyncset.s32 $0xFFFFF086  }
0x25: {  	[simem:s6], [sflag:s4] =	dma.local [hbm:s3], $0xF7A  }
0x26: {  	[smem:$0x3F9E] =	sst s1;
	(tag) =	ssettag s2;
	_ =	strace s9  }
0x27: {  	s1 =	sld [smem:$0x3FAE]  }
0x28: {  	s2 =	sld [smem:$0x3FAF]  }
0x29: {  	s4 =	sld [smem:$0x3FB1]  }
0x2a: {  	p0 =	seq.s32 s5, $0x0;
	s5 =	sld [smem:$0x3FB2]  }
0x2b: {  	s6 =	sld [smem:$0x3FB3]  }
0x2c: {  	s7 =	sld [smem:$0x3FB4]  }
0x2d: {  	s3 =	simm.s32 $0x108;
	s8 =	sld [smem:$0x3FB5]  }
0x2e: {  	s3 =	simm.s32 @!p0 $0x1082;
	s9 =	sld [smem:$0x3FB6]  }
0x2f: {  	lr =	sadd.s32 s0, s3;
	s0 =	sld [smem:$0x3FAD]  }
0x30: {  	s3 =	sld [smem:$0x3FB0]  }
0x31: {  	[smem:$0x3FB9] =	sst s10  }
0x32: {  	s10 =	sld [smem:$0x3FB7];
	_ =	sdelay $0x3  }
0x33: {  	p0 =	seq.s32 s10, $0x1;
	s10 =	sld [smem:$0x3FB9];
	_ =	sdelay $0x3  }
0x34: {  	[smem:$0x3FB9] =	sst s10  }
0x35: {  	s10 =	sld [smem:$0x3FB8];
	_ =	sdelay $0x3  }
0x36: {  	p1 =	seq.s32 s10, $0x1;
	s10 =	sld [smem:$0x3FB9];
	_ =	sdelay $0x3  }
0x37: {  	[smem:$0x3FB9] =	sst s10  }
0x38: {  	s10 =	sld [smem:$0x3FBA]  }
0x39: {  	_ = 	snop;
	(pc) =	sbr.ind lr, $3  }
0x3a: {  	_ = 	snop  }
0x3b: {  	_ = 	snop  }
0x3c: {  	p2 =	seq.s32 s10, $0x1;
	s10 =	sld [smem:$0x3FB9]  }
0x3d: {  	_ =	shalt  }
0x3e: {  	_ =	shalt  }
0x3f: {  	_ =	shalt  }
0x40: {  	_ =	shalt  }
0x41: {  	_ =	shalt  }
0x42: {  	_ =	shalt  }
0x43: {  	_ =	shalt  }
0x44: {  	_ =	shalt  }
0x45: {  	_ =	shalt  }
0x46: {  	_ =	shalt  }
0x47: {  	_ =	shalt  }
0x48: {  	_ =	shalt  }
0x49: {  	_ =	shalt  }
0x4a: {  	_ =	shalt  }
0x4b: {  	_ =	shalt  }
0x4c: {  	_ =	shalt  }
0x4d: {  	_ =	shalt  }
0x4e: {  	_ =	shalt  }
0x4f: {  	_ =	shalt  }
0x50: {  	_ =	shalt  }
0x51: {  	_ =	shalt  }
0x52: {  	_ =	shalt  }
0x53: {  	_ =	shalt  }
0x54: {  	_ =	shalt  }
0x55: {  	_ =	shalt  }
0x56: {  	_ =	shalt  }
0x57: {  	_ =	shalt  }
0x58: {  	_ =	shalt  }
0x59: {  	_ =	shalt  }
0x5a: {  	_ =	shalt  }
0x5b: {  	_ =	shalt  }
0x5c: {  	_ =	shalt  }
0x5d: {  	_ =	shalt  }
0x5e: {  	_ =	shalt  }
0x5f: {  	_ =	shalt  }
0x60: {  	_ =	shalt  }
0x61: {  	_ =	shalt  }
0x62: {  	_ =	shalt  }
0x63: {  	_ =	shalt  }
0x64: {  	_ =	shalt  }
0x65: {  	_ =	shalt  }
0x66: {  	_ =	shalt  }
0x67: {  	_ =	shalt  }
0x68: {  	_ =	shalt  }
0x69: {  	_ =	shalt  }
0x6a: {  	_ =	shalt  }
0x6b: {  	_ =	shalt  }
0x6c: {  	_ =	shalt  }
0x6d: {  	_ =	shalt  }
0x6e: {  	_ =	shalt  }
0x6f: {  	_ =	shalt  }
0x70: {  	_ =	shalt  }
0x71: {  	_ =	shalt  }
0x72: {  	_ =	shalt  }
0x73: {  	_ =	shalt  }
0x74: {  	_ =	shalt  }
0x75: {  	_ =	shalt  }
0x76: {  	_ =	shalt  }
0x77: {  	_ =	shalt  }
0x78: {  	_ =	shalt  }
0x79: {  	_ =	shalt  }
0x7a: {  	_ =	shalt  }
0x7b: {  	_ =	shalt  }
0x7c: {  	_ =	shalt  }
0x7d: {  	_ =	shalt  }
0x7e: {  	_ =	shalt  }
0x7f: {  	_ =	shalt  }
0x80: {  	_ =	shalt  }
0x81: {  	_ =	shalt  }
0x82: {  	_ =	shalt  }
0x83: {  	_ =	shalt  }
0x84: {  	_ =	shalt  }
0x85: {  	_ =	shalt  }
0x86: {  	_ =	shalt  }
0x87: {  	_ =	shalt  }
.Lfunc_end0:
.L_simem_size_0:
called_computation_lowered:
.L_overlay_start_0:
0x88: {  	s2 =	sld [smem:$0x3FD9]  }
0x89: {  	s3 =	sld [smem:$0x3FFE];
	_ =	sdelay $0x1  }
0x8a: {  	s1 =	srdreg.scid  }
0x8b: {  	s0 =	sand.u32 $0x1, s1  }
0x8c: {  	s15 =	sshll.u32 s0, $0xA;
	s2 =	sadd.s32 s3, s2  }
0x8d: {  	s2 =	sadd.s32 s2, s15  }
0x8e: {  	[smem:$0x3FC5] =	sst s2  }
0x8f: {  	_ = 	snop  }
0x90: {  	s16 =	sld [smem:$0x3FD0];
	_ =	sdelay $0x2  }
0x91: {  	s4 =	simm.s32 $0xB;
	s5 =	simm.s32 $0x10;
	s2 =	sld [smem:$0x3FC9]  }
0x92: {  	[smem:s5], [sflag:s4] =	dma.local [hbm:s16], $0x1  }
0x93: {  	_ =	swait.eq [sflag:s4], $0x1  }
0x94: {  	[sflag:s4] =	ssyncset.done $0x0  }
0x95: {  	[sflag:s4] =	ssyncadd.s32 $0xFFFFFFFF  }
0x96: {  	s17 =	sld [smem:$0x10];
	(tm) =	ssettm $0x1  }
0x97: {  	s18 =	sld [smem:$0x3FFB];
	_ =	sdelay $0x3  }
0x98: {  	_ =	strace s18  }
0x99: {  	s3 =	sld [smem:$0x3FFC];
	_ =	sdelay $0x3  }
0x9a: {  	_ =	strace s3  }
0x9b: {  	s3 =	sld [smem:$0x3FFD];
	_ =	sdelay $0x3  }
0x9c: {  	_ =	strace s3  }
0x9d: {  	_ =	strace $0x8FFFFFFF  }
0x9e: {  	s19 =	sld [smem:$0x3FDB];
	_ =	sdelay $0x1  }
0x9f: {  	s20 =	simm.s32 $_scs_section_size  }
0xa0: {  	s6 =	simm.s32 $_size__tile_overlayer_lowered;
	s7 =	simm.s32 $_tile_overlayer_lowered  }
0xa1: {  	s8 =	simm.s32 $0x1BFF;
	s21 =	sshll.u32 s7, $0x1;
	s5 =	sadd.s32 s20, s19  }
0xa2: {  	s22 =	simm.s32 $0x0;
	s6 =	sshll.u32 s6, $0x1;
	s7 =	sadd.s32 s21, s5  }
0xa3: {  	[timem:s22], [sflag:s8] =	dma.local [hbm:s7], s6  }
0xa4: {  	_ =	swait.ge [sflag:s8], s6  }
0xa5: {  	s6 =	ssub.s32 $0x0, s6;
	[sflag:s8] =	ssyncset.done $0x0  }
0xa6: {  	[sflag:s8] =	ssyncadd.s32 s6;
	_ =	sdelay $0x1  }
0xa7: {  	s23 =	simm.s32 $0x1B8B  }
0xa8: {  	_ =	swait.ge [sflag:s23], $0x1  }
0xa9: {  	[sflag:s23] =	ssyncset.done $0x0  }
0xaa: {  	[sflag:s23] =	ssyncadd.s32 $0xFFFFFFFF  }
0xab: {  	s6 =	sld [smem:$0x0]  }
0xac: {  	s7 =	sand.u32 $0xFFFFFFFE, s1  }
0xad: {  	p0 =	sne.s32 s1, s7  }
0xae: {  	s7 =	sshll.u32 @p0 s7, $0xE  }
0xaf: {  	s7 =	sadd.s32 @p0 $0x11B8D, s7;
	s8 =	sshll.u32 @p0 s6, $0x11  }
0xb0: {  	s7 =	sor.u32 @p0 s8, s7  }
0xb1: {  	[sflag:s7] =	ssyncadd.remote.s32 @p0 $0x1;
	_ =	sdelay $0x1  }
0xb2: {  	s7 =	simm.s32 @p0 $0x1B8D  }
0xb3: {  	_ =	swait.eq @p0 [sflag:s7], $0x1  }
0xb4: {  	[sflag:s7] =	ssyncadd.s32 @p0 $0xFFFFFFFF  }
0xb5: {  	s8 =	sshll.u32 @!p0 s1, $0xE  }
0xb6: {  	s8 =	sor.u32 @!p0 $0x4000, s8;
	s7 =	simm.s32 @!p0 $0x1B8D  }
0xb7: {  	s6 =	sshll.u32 @!p0 s6, $0x11;
	s8 =	sadd.s32 @!p0 $0x11B8D, s8;
	_ =	swait.eq @!p0 [sflag:s7], $0x1  }
0xb8: {  	s6 =	sor.u32 @!p0 s6, s8;
	[sflag:s7] =	ssyncadd.s32 @!p0 $0xFFFFFFFF  }
0xb9: {  	s25 =	simm.s32 $0x1B8E;
	s24 =	sld [smem:$0x3FFE];
	[sflag:s6] =	ssyncadd.remote.s32 @!p0 $0x1  }
0xba: {  	s26 =	simm.s32 $execute0_lowered;
	[smem:$0x3FD2] =	sst s25  }
0xbb: {  	s7 =	sshll.u32 s26, $0x1;
	_ =	strace $0x80000049;
	[dreg:$0x1] =	wrdreg $0xFFFFFFFF  }
0xbc: {  	s28 =	simm.s32 $_size_execute0_lowered;
	s5 =	sadd.s32 s5, s7;
	[dreg:$0x0] =	wrdreg $0x0  }
0xbd: {  	s7 =	sshll.u32 s28, $0x1;
	[dreg:$0x2] =	wrdreg s5  }
0xbe: {  	[dreg:$0x3] =	wrdreg s7  }
0xbf: {  	[dreg:$0x4] =	wrdreg $0xC0  }
0xc0: {  	_ =	task [dreg:s22], $0x5FFFF  }
0xc1: {  	[dreg:$0x1] =	wrdreg $0xFFFFFFFF  }
0xc2: {  	[dreg:$0x0] =	wrdreg $0x60  }
0xc3: {  	[dreg:$0x2] =	wrdreg s2  }
0xc4: {  	[dreg:$0x3] =	wrdreg s24  }
0xc5: {  	[dreg:$0x4] =	wrdreg s17  }
0xc6: {  	[dreg:$0x5] =	wrdreg $0x9  }
0xc7: {  	_ =	task.clear_ibuf [dreg:s22], $0x6FFFF;
	_ =	strace $0x90000049  }
0xc8: {  	s29 =	simm.s32 $0x9;
	_ =	strace $0x8000004B  }
0xc9: {  	_ =	swait.ge [sflag:s29], $0x1  }
0xca: {  	[sflag:s29] =	ssyncadd.s32 $0xFFFFFFFF  }
0xcb: {  	_ =	strace $0x9000004B  }
0xcc: {  	_ =	sfence  }
0xcd: {  	s30 =	sld [smem:$0x0];
	_ =	sdelay $0x2  }
0xce: {  	s31 =	sshll.u32 s1, $0xD;
	s1 =	sshrl.u32 s1, $0x2  }
0xcf: {  	s4 =	sand.u32 $0x4000, s31;
	s1 =	sadd.s32 s1, s30  }
0xd0: {  	s0 =	sor.u32 s4, s0;
	s1 =	sshll.u32 s1, $0x11  }
0xd1: {  	s0 =	sor.u32 s1, s0  }
0xd2: {  	s0 =	sadd.s32 $0x8F2B, s0  }
0xd3: {  	[sflag:s0] =	ssyncadd.remote.s32 $0x1  }
0xd4: {  	_ =	sfence.sel $0xFFFF  }
0xd5: {  	[dreg:$0x0] =	wrdreg $0xFFFFFFFF;
	(pc) =	sbr.abs _section_cstart, $3  }
0xd6: {  	[dreg:$0x1] =	wrdreg $0xFFFFFFFF  }
0xd7: {  	_ =	task.clear_ibuf [dreg:s22], $0x2FFFF;
	_ =	strace $0x9FFFFFFF  }
0xd8: {  	(tm) =	ssettm $0x7FFFFFFF  }
0xd9: {  	_ =	shalt  }
tec
execute0_lowered:
.L_overlay_start_1:
0x0: {  	(tag) =	ssettag $0x1  }
0x1: {  	s2 =	srdreg.scid  }
0x2: {  	s1 =	rddreg [dreg:$0x0];
	s0 =	stileid.u32;
	s6 =	sand.u32 $0x1, s2  }
0x3: {  	s4 =	rddreg [dreg:$0x1];
	s30 =	sshll.u32 s0, $0x4;
	s3 =	sshll.u32 s6, $0x3  }
0x4: {  	s10 =	rddreg [dreg:$0x2];
	s11 =	sor.u32 s3, s30  }
0x5: {  	s2 =	rddreg [dreg:$0x3];
	s3 =	simm.s32 $0x0;
	s5 =	sshrl.u32 s11, $0x3  }
0x6: {  	[smem:$0x7FF] =	sst s3;
	s4 =	sadd.s32 s5, s4  }
0x7: {  	_ =	strace $0x8000004A;
	s5 =	sadd.s32 $0x200, s4;
	s4 =	simm.s32 $0x2  }
0x8: {  	[tilespmem:s3], [sflag:$0x2] =	stream.linear.gather [hbm4b:s5+s3], $0x8, $0x38;
	[tilespmem:$0x1080] =	vst v63  }
0x9: {  	_ =	swait.ge [sflag:s4], $0x8  }
0xa: {  	[sflag:s4] =	ssyncset.done $0x0  }
0xb: {  	[sflag:s4] =	ssyncadd.s32 $0xFFFFFFF8  }
0xc: {  	v0 =	vld.msk [tilespmem:$0x0], $0xff;
	_ =	sdelay $0x4  }
0xd: {  	v1 =	vshll.u32 v0, $0x2  }
0xe: {  	v2 =	vlaneseq.u32;
	v3 =	vand.u32 $0x7, v0;
	v1 =	vand.u32 $0xFFFFFFE0, v1  }
0xf: {  	v0 =	vand.u32 $0x7, v2;
	v2 =	vshrl.u32 v2, $0x3;
	v3 =	vor.u32 v3, v1  }
0x10: {  	v1 =	vmul.u32 $0x8, v2;
	v2 =	vperm.xlane v3, v0;
	_ =	sdelay $0x1  }
0x11: {  	v2 =	vadd.s32 v1, v2;
	_ =	sdelay $0x1  }
0x12: {  	s12 =	ssub.s32 $0x2, s6  }
0x13: {  	s13 =	sshrl.u32 s12, $0x1  }
0x14: {  	vm0 =	vmmov $0xffff;
	s8 =	simm.s32 $0x880;
	s6 =	simm.s32 $0x80;
	s12 =	ssub.s32 s12, s13  }
0x15: {  	[tilespmem:s6], [sflag:$0x1] =	stream.indirect_vreg.gather [hbm4b:s1+s3], $0x80, v2, vm0, $0xb8;
	[tilespmem:$0x1080] =	vst v63  }
0x16: {  	s9 =	simm.s32 $0x1;
	s7 =	sadd.s32 $0x100, s1;
	s31 =	smax.u32 s12, $0x1  }
0x17: {  	[tilespmem:s8], [sflag:$0x1] =	stream.indirect_vreg.gather [hbm4b:s7+s3], $0x80, v2, vm0, $0xb8;
	[tilespmem:$0x1080] =	vst v63  }
0x18: {  	p0 =	sne.s32 s31, $0x1;
	_ =	swait.ge [sflag:s9], $0x1000  }
.Ltmp0:
0x19: {  	s11 =	sshll.u32 s11, $0x6;
	[sflag:s9] =	ssyncset.done $0x0;
	(pc) =	sbr.rel @!p0 .LBB2_2-.Ltmp0, $4  }
0x1a: {  	s10 =	sadd.s32 s10, s11;
	[sflag:s9] =	ssyncadd.s32 $0xFFFFF000  }
0x1b: {  	[hbm4b:s10+s3] =	stream.linear.scatter [tilespmem:s6], [sflag:$0x2], $0x1000, $0x38;
	[tilespmem:$0x1080] =	vst v63  }
0x1c: {  	_ =	swait.ge [sflag:s4], $0x1000  }
0x1d: {  	s11 =	sadd.s32 $0xFFFFFFFF, s31;
	[sflag:s4] =	ssyncset.done $0x0  }
.LBB2_1:
0x1e: {  	p0 =	sne.s32 s11, $0x1;
	s11 =	sadd.s32 $0xFFFFFFFF, s11;
	[sflag:s4] =	ssyncadd.s32 $0xFFFFF000  }
0x1f: {  	[tilespmem:s3], [sflag:$0x2] =	stream.linear.gather [hbm4b:s5+s3], $0x8, $0x38;
	[tilespmem:$0x1080] =	vst v63  }
0x20: {  	_ =	swait.ge [sflag:s4], $0x8  }
0x21: {  	[sflag:s4] =	ssyncset.done $0x0  }
0x22: {  	[sflag:s4] =	ssyncadd.s32 $0xFFFFFFF8  }
0x23: {  	v2 =	vld.msk [tilespmem:$0x0], $0xff;
	_ =	sdelay $0x4  }
0x24: {  	v3 =	vshll.u32 v2, $0x2  }
0x25: {  	v2 =	vand.u32 $0x7, v2;
	v3 =	vand.u32 $0xFFFFFFE0, v3  }
0x26: {  	v2 =	vor.u32 v2, v3  }
0x27: {  	v2 =	vperm.xlane v2, v0;
	_ =	sdelay $0x1  }
0x28: {  	v2 =	vadd.s32 v1, v2;
	_ =	sdelay $0x4  }
0x29: {  	[tilespmem:s6], [sflag:$0x1] =	stream.indirect_vreg.gather [hbm4b:s1+s3], $0x80, v2, vm0, $0xb8;
	[tilespmem:$0x1080] =	vst v63  }
0x2a: {  	_ = 	snop  }
0x2b: {  	[tilespmem:s8], [sflag:$0x1] =	stream.indirect_vreg.gather [hbm4b:s7+s3], $0x80, v2, vm0, $0xb8;
	[tilespmem:$0x1080] =	vst v63  }
0x2c: {  	_ =	swait.ge [sflag:s9], $0x1000  }
.Ltmp1:
0x2d: {  	[sflag:s9] =	ssyncset.done $0x0;
	(pc) =	sbr.rel @p0 .LBB2_1-.Ltmp1, $4  }
0x2e: {  	[sflag:s9] =	ssyncadd.s32 $0xFFFFF000  }
0x2f: {  	[hbm4b:s10+s3] =	stream.linear.scatter [tilespmem:s6], [sflag:$0x2], $0x1000, $0x38;
	[tilespmem:$0x1080] =	vst v63  }
0x30: {  	_ =	swait.ge [sflag:s4], $0x1000  }
0x31: {  	[sflag:s4] =	ssyncset.done $0x0  }
.LBB2_2:
0x32: {  	[sflag:s4] =	ssyncadd.s32 $0xFFFFF000  }
0x33: {  	_ =	sfence.sel $0x180000  }
0x34: {  	[bflag:$0x0] =	sbarrier.arrive $0xFFFF  }
0x35: {  	p0 =	sne.s32 s0, $0x0;
	_ =	strace $0x9000004A  }
0x36: {  	s0 =	sadd.s32 @!p0 $0x100000, s2;
	[bflag:$0x2] =	sbarrier.arrive $0xFFFF  }
0x37: {  	[sflag:s0] =	ssyncadd.tile.s32 @!p0 $0x1;
	_ =	shalt  }
.Lfunc_end2:
_tile_overlayer_lowered:
.L_overlay_start_2:
0x38: {  	(tag) =	ssettag $0x2  }
0x39: {  	s0 =	rddreg [dreg:$0x0];
	s2 =	stileid.u32  }
0x3a: {  	s1 =	rddreg [dreg:$0x1];
	p0 =	sne.s32 s2, $0x0  }
0x3b: {  	s3 =	rddreg [dreg:$0x2];
	[bflag:$0x3] =	sbarrier.arrive $0xFFFF;
	s2 =	simm.s32 @!p0 $0x1C02  }
0x3c: {  	[timem:s3], [sflag:s2] =	dma.local @!p0 [hbm:s0], s1  }
0x3d: {  	s0 =	simm.s32 @!p0 $0x2  }
0x3e: {  	_ =	swait.ge @!p0 [sflag:s0], s1  }
0x3f: {  	s1 =	ssub.s32 @!p0 $0x0, s1;
	[sflag:s0] =	ssyncset.done @!p0 $0x0  }
0x40: {  	[sflag:s0] =	ssyncadd.s32 @!p0 s1  }
0x41: {  	[bflag:$0x3] =	sbarrier.arrive $0xFFFF  }
0x42: {  	_ =	shalt  }

// kernel: kernel.9.cloned.1.call-start
scs
__scs_entry_jumppad:
0x0: {  	(pc) =	sbr.rel $0x88, $3  }
0x1: {  	(tag) =	ssettag $0x0;
	lr =	simm.s32 $0x1  }
0x2: {  	[smem:$0x3F9E] =	sst lr;
	_ =	strace $0xD0000000  }
0x3: {  	_ = 	snop  }
0x4: {  	_ = 	snop  }
0x5: {  	_ = 	snop  }
0x6: {  	_ = 	snop  }
0x7: {  	_ = 	snop  }
__scs_overlays_trampoline_lowered:
0x8: {  	[smem:$0x3FAD] =	sst s0  }
0x9: {  	[smem:$0x3FAE] =	sst s1  }
0xa: {  	[smem:$0x3FAF] =	sst s2  }
0xb: {  	[smem:$0x3FB0] =	sst s3  }
0xc: {  	[smem:$0x3FB1] =	sst s4  }
0xd: {  	[smem:$0x3FB2] =	sst s5  }
0xe: {  	[smem:$0x3FB3] =	sst s6  }
0xf: {  	[smem:$0x3FB4] =	sst s7  }
0x10: {  	[smem:$0x3FB5] =	sst s8  }
0x11: {  	[smem:$0x3FB6] =	sst s9;
	s0 =	simm.s32 @!p0 $0x0  }
0x12: {  	s1 =	sld [smem:$0x3F9C];
	s0 =	simm.s32 @p0 $0x1  }
0x13: {  	[smem:$0x3FB7] =	sst s0;
	s0 =	simm.s32 @!p1 $0x0  }
0x14: {  	s2 =	sld [smem:$0x3F9B];
	s0 =	simm.s32 @p1 $0x1  }
0x15: {  	[smem:$0x3FB8] =	sst s0;
	s0 =	simm.s32 @!p2 $0x0  }
0x16: {  	s3 =	sld [smem:$0x3FDB];
	s0 =	simm.s32 @p2 $0x1  }
0x17: {  	s4 =	simm.s32 $0x1BF5;
	[smem:$0x3FBA] =	sst s0  }
0x18: {  	s0 =	sld [smem:$0x3F9D];
	_ =	swait.ge [sflag:s4], $0x0  }
0x19: {  	s7 =	sld [smem:$0x3F9E]  }
0x1a: {  	s8 =	sadd.s32 $0xFFFFE003, lr  }
0x1b: {  	s9 =	sadd.s32 $0xFFFFFEF7, lr;
	s5 =	simm.s32 $0xFFFFFFFF;
	p2 =	slt.u32 s8, $0xFFFFF086  }
0x1c: {  	p1 =	slt.u32 s9, $0xF7A;
	s5 =	simm.s32 @!p2 $0x0  }
0x1d: {  	s5 =	simm.s32 @p1 $0x1;
	p0 =	seq.s32 s7, s2  }
0x1e: {  	s7 =	smul.u32 @!p0 $0xF7A, s2;
	p2 =	seq.s32 @!p0 s5, $0x0  }
0x1f: {  	s9 =	smul.u32 $0xF7A, s1;
	s8 =	simm.s32 @!p0 $0x1BF5;
	p2 =	por !p2, p0  }
0x20: {  	[sflag:s8] =	ssyncset.s32 @!p0 $0xFFFFF086;
	s6 =	sadd.s32 @!p0 s3, s7;
	s7 =	simm.s32 @!p0 $0x108  }
0x21: {  	s3 =	sadd.s32 s3, s9;
	s6 =	sadd.s32 @!p0 $0x88, s6;
	s7 =	simm.s32 @p2 $0x1082  }
0x22: {  	[simem:s7], [sflag:s8] =	dma.local @!p0 [hbm:s6], $0xF7A  }
0x23: {  	s9 =	sor.u32 $0xD0000000, s2;
	s6 =	simm.s32 $0x108;
	_ =	swait.ge @!p0 [sflag:s8], $0x0  }
0x24: {  	s3 =	sadd.s32 $0x88, s3;
	s6 =	simm.s32 @!p1 $0x1082;
	[sflag:s4] =	ssyncset.s32 $0xFFFFF086  }
0x25: {  	[simem:s6], [sflag:s4] =	dma.local [hbm:s3], $0xF7A  }
0x26: {  	[smem:$0x3F9E] =	sst s1;
	(tag) =	ssettag s2;
	_ =	strace s9  }
0x27: {  	s1 =	sld [smem:$0x3FAE]  }
0x28: {  	s2 =	sld [smem:$0x3FAF]  }
0x29: {  	s4 =	sld [smem:$0x3FB1]  }
0x2a: {  	p0 =	seq.s32 s5, $0x0;
	s5 =	sld [smem:$0x3FB2]  }
0x2b: {  	s6 =	sld [smem:$0x3FB3]  }
0x2c: {  	s7 =	sld [smem:$0x3FB4]  }
0x2d: {  	s3 =	simm.s32 $0x108;
	s8 =	sld [smem:$0x3FB5]  }
0x2e: {  	s3 =	simm.s32 @!p0 $0x1082;
	s9 =	sld [smem:$0x3FB6]  }
0x2f: {  	lr =	sadd.s32 s0, s3;
	s0 =	sld [smem:$0x3FAD]  }
0x30: {  	s3 =	sld [smem:$0x3FB0]  }
0x31: {  	[smem:$0x3FB9] =	sst s10  }
0x32: {  	s10 =	sld [smem:$0x3FB7];
	_ =	sdelay $0x3  }
0x33: {  	p0 =	seq.s32 s10, $0x1;
	s10 =	sld [smem:$0x3FB9];
	_ =	sdelay $0x3  }
0x34: {  	[smem:$0x3FB9] =	sst s10  }
0x35: {  	s10 =	sld [smem:$0x3FB8];
	_ =	sdelay $0x3  }
0x36: {  	p1 =	seq.s32 s10, $0x1;
	s10 =	sld [smem:$0x3FB9];
	_ =	sdelay $0x3  }
0x37: {  	[smem:$0x3FB9] =	sst s10  }
0x38: {  	s10 =	sld [smem:$0x3FBA]  }
0x39: {  	_ = 	snop;
	(pc) =	sbr.ind lr, $3  }
0x3a: {  	_ = 	snop  }
0x3b: {  	_ = 	snop  }
0x3c: {  	p2 =	seq.s32 s10, $0x1;
	s10 =	sld [smem:$0x3FB9]  }
0x3d: {  	_ =	shalt  }
0x3e: {  	_ =	shalt  }
0x3f: {  	_ =	shalt  }
0x40: {  	_ =	shalt  }
0x41: {  	_ =	shalt  }
0x42: {  	_ =	shalt  }
0x43: {  	_ =	shalt  }
0x44: {  	_ =	shalt  }
0x45: {  	_ =	shalt  }
0x46: {  	_ =	shalt  }
0x47: {  	_ =	shalt  }
0x48: {  	_ =	shalt  }
0x49: {  	_ =	shalt  }
0x4a: {  	_ =	shalt  }
0x4b: {  	_ =	shalt  }
0x4c: {  	_ =	shalt  }
0x4d: {  	_ =	shalt  }
0x4e: {  	_ =	shalt  }
0x4f: {  	_ =	shalt  }
0x50: {  	_ =	shalt  }
0x51: {  	_ =	shalt  }
0x52: {  	_ =	shalt  }
0x53: {  	_ =	shalt  }
0x54: {  	_ =	shalt  }
0x55: {  	_ =	shalt  }
0x56: {  	_ =	shalt  }
0x57: {  	_ =	shalt  }
0x58: {  	_ =	shalt  }
0x59: {  	_ =	shalt  }
0x5a: {  	_ =	shalt  }
0x5b: {  	_ =	shalt  }
0x5c: {  	_ =	shalt  }
0x5d: {  	_ =	shalt  }
0x5e: {  	_ =	shalt  }
0x5f: {  	_ =	shalt  }
0x60: {  	_ =	shalt  }
0x61: {  	_ =	shalt  }
0x62: {  	_ =	shalt  }
0x63: {  	_ =	shalt  }
0x64: {  	_ =	shalt  }
0x65: {  	_ =	shalt  }
0x66: {  	_ =	shalt  }
0x67: {  	_ =	shalt  }
0x68: {  	_ =	shalt  }
0x69: {  	_ =	shalt  }
0x6a: {  	_ =	shalt  }
0x6b: {  	_ =	shalt  }
0x6c: {  	_ =	shalt  }
0x6d: {  	_ =	shalt  }
0x6e: {  	_ =	shalt  }
0x6f: {  	_ =	shalt  }
0x70: {  	_ =	shalt  }
0x71: {  	_ =	shalt  }
0x72: {  	_ =	shalt  }
0x73: {  	_ =	shalt  }
0x74: {  	_ =	shalt  }
0x75: {  	_ =	shalt  }
0x76: {  	_ =	shalt  }
0x77: {  	_ =	shalt  }
0x78: {  	_ =	shalt  }
0x79: {  	_ =	shalt  }
0x7a: {  	_ =	shalt  }
0x7b: {  	_ =	shalt  }
0x7c: {  	_ =	shalt  }
0x7d: {  	_ =	shalt  }
0x7e: {  	_ =	shalt  }
0x7f: {  	_ =	shalt  }
0x80: {  	_ =	shalt  }
0x81: {  	_ =	shalt  }
0x82: {  	_ =	shalt  }
0x83: {  	_ =	shalt  }
0x84: {  	_ =	shalt  }
0x85: {  	_ =	shalt  }
0x86: {  	_ =	shalt  }
0x87: {  	_ =	shalt  }
.Lfunc_end0:
.L_simem_size_0:
called_computation.1_lowered:
.L_overlay_start_0:
0x88: {  	s2 =	sld [smem:$0x3FD9]  }
0x89: {  	s3 =	sld [smem:$0x3FFE];
	_ =	sdelay $0x1  }
0x8a: {  	s1 =	srdreg.scid  }
0x8b: {  	s0 =	sand.u32 $0x1, s1  }
0x8c: {  	s14 =	sshll.u32 s0, $0xA;
	s2 =	sadd.s32 s3, s2  }
0x8d: {  	s2 =	sadd.s32 s2, s14  }
0x8e: {  	[smem:$0x3FC5] =	sst s2  }
0x8f: {  	_ = 	snop  }
0x90: {  	s2 =	sld [smem:$0x3FD0];
	_ =	sdelay $0x2  }
0x91: {  	s4 =	simm.s32 $0xB;
	s5 =	simm.s32 $0x10;
	s15 =	sld [smem:$0x3FC8]  }
0x92: {  	[smem:s5], [sflag:s4] =	dma.local [hbm:s2], $0x1  }
0x93: {  	_ =	swait.eq [sflag:s4], $0x1  }
0x94: {  	[sflag:s4] =	ssyncset.done $0x0  }
0x95: {  	[sflag:s4] =	ssyncadd.s32 $0xFFFFFFFF  }
0x96: {  	s16 =	sld [smem:$0x11];
	(tm) =	ssettm $0x1  }
0x97: {  	s17 =	sld [smem:$0x3FFB];
	_ =	sdelay $0x3  }
0x98: {  	_ =	strace s17  }
0x99: {  	s4 =	sld [smem:$0x3FFC];
	_ =	sdelay $0x3  }
0x9a: {  	_ =	strace s4  }
0x9b: {  	s4 =	sld [smem:$0x3FFD];
	_ =	sdelay $0x3  }
0x9c: {  	_ =	strace s4  }
0x9d: {  	_ =	strace $0x8FFFFFFF  }
0x9e: {  	s18 =	sld [smem:$0x3FDB];
	_ =	sdelay $0x1  }
0x9f: {  	s19 =	simm.s32 $_scs_section_size  }
0xa0: {  	s6 =	simm.s32 $_size__tile_overlayer_lowered;
	s7 =	simm.s32 $_tile_overlayer_lowered  }
0xa1: {  	s22 =	simm.s32 $0x1BFF;
	s21 =	sshll.u32 s7, $0x1;
	s4 =	sadd.s32 s19, s18  }
0xa2: {  	s8 =	simm.s32 $0x0;
	s20 =	sshll.u32 s6, $0x1;
	s6 =	sadd.s32 s21, s4  }
0xa3: {  	[timem:s8], [sflag:s22] =	dma.local [hbm:s6], s20  }
0xa4: {  	_ =	swait.ge [sflag:s22], s20  }
0xa5: {  	s5 =	ssub.s32 $0x0, s20;
	[sflag:s22] =	ssyncset.done $0x0  }
0xa6: {  	[sflag:s22] =	ssyncadd.s32 s5;
	_ =	sdelay $0x1  }
0xa7: {  	s23 =	simm.s32 $0x1B8B  }
0xa8: {  	_ =	swait.ge [sflag:s23], $0x1  }
0xa9: {  	[sflag:s23] =	ssyncset.done $0x0  }
0xaa: {  	s25 =	simm.s32 $0x1B8E;
	s24 =	sld [smem:$0x3FFE];
	[sflag:s23] =	ssyncadd.s32 $0xFFFFFFFF  }
0xab: {  	s26 =	simm.s32 $execute0_lowered;
	[smem:$0x3FD2] =	sst s25  }
0xac: {  	s6 =	sshll.u32 s26, $0x1;
	_ =	strace $0x80000046;
	[dreg:$0x1] =	wrdreg $0xFFFFFFFF  }
0xad: {  	s28 =	simm.s32 $_size_execute0_lowered;
	s4 =	sadd.s32 s4, s6;
	[dreg:$0x0] =	wrdreg $0x0  }
0xae: {  	s6 =	sshll.u32 s28, $0x1;
	[dreg:$0x2] =	wrdreg s4  }
0xaf: {  	[dreg:$0x3] =	wrdreg s6  }
0xb0: {  	[dreg:$0x4] =	wrdreg $0xC0  }
0xb1: {  	_ =	task [dreg:s8], $0x5FFFF  }
0xb2: {  	[dreg:$0x1] =	wrdreg $0xFFFFFFFF  }
0xb3: {  	[dreg:$0x0] =	wrdreg $0x60  }
0xb4: {  	[dreg:$0x2] =	wrdreg s15  }
0xb5: {  	[dreg:$0x3] =	wrdreg s24  }
0xb6: {  	[dreg:$0x4] =	wrdreg s16  }
0xb7: {  	[dreg:$0x5] =	wrdreg $0xA  }
0xb8: {  	_ =	task.clear_ibuf [dreg:s8], $0x6FFFF;
	_ =	strace $0x90000046  }
0xb9: {  	s29 =	simm.s32 $0xA;
	_ =	strace $0x80000048  }
0xba: {  	_ =	swait.ge [sflag:s29], $0x1  }
0xbb: {  	[sflag:s29] =	ssyncadd.s32 $0xFFFFFFFF  }
0xbc: {  	_ =	strace $0x90000048  }
0xbd: {  	_ =	sfence  }
0xbe: {  	s30 =	sld [smem:$0x0];
	_ =	sdelay $0x2  }
0xbf: {  	s31 =	sshll.u32 s1, $0xD;
	s1 =	sshrl.u32 s1, $0x2  }
0xc0: {  	s3 =	sand.u32 $0x4000, s31;
	s1 =	sadd.s32 s1, s30  }
0xc1: {  	s0 =	sor.u32 s3, s0;
	s1 =	sshll.u32 s1, $0x11  }
0xc2: {  	s0 =	sor.u32 s1, s0  }
0xc3: {  	s0 =	sadd.s32 $0x8F2B, s0  }
0xc4: {  	[sflag:s0] =	ssyncadd.remote.s32 $0x1  }
0xc5: {  	_ =	sfence.sel $0xFFFF  }
0xc6: {  	[dreg:$0x0] =	wrdreg $0xFFFFFFFF;
	(pc) =	sbr.abs _section_cstart, $3  }
0xc7: {  	[dreg:$0x1] =	wrdreg $0xFFFFFFFF  }
0xc8: {  	_ =	task.clear_ibuf [dreg:s8], $0x2FFFF;
	_ =	strace $0x9FFFFFFF  }
0xc9: {  	(tm) =	ssettm $0x7FFFFFFF  }
tec
execute0_lowered:
.L_overlay_start_1:
0x0: {  	(tag) =	ssettag $0x1  }
0x1: {  	s1 =	rddreg [dreg:$0x0];
	s2 =	srdreg.scid  }
0x2: {  	s4 =	rddreg [dreg:$0x1];
	s0 =	stileid.u32;
	s6 =	sand.u32 $0x1, s2  }
0x3: {  	s10 =	rddreg [dreg:$0x2];
	s5 =	sshll.u32 s0, $0x4;
	s7 =	sshll.u32 s6, $0x3  }
0x4: {  	s3 =	simm.s32 $0x0;
	s2 =	rddreg [dreg:$0x3];
	s11 =	sor.u32 s7, s5  }
0x5: {  	[smem:$0x7FF] =	sst s3;
	s5 =	sshrl.u32 s11, $0x3  }
0x6: {  	_ =	strace $0x80000047;
	s5 =	sadd.s32 s4, s5;
	s4 =	simm.s32 $0x2  }
0x7: {  	[tilespmem:s3], [sflag:$0x2] =	stream.linear.gather [hbm4b:s5+s3], $0x8, $0x38;
	[tilespmem:$0x1080] =	vst v63  }
0x8: {  	_ =	swait.ge [sflag:s4], $0x8  }
0x9: {  	[sflag:s4] =	ssyncset.done $0x0  }
0xa: {  	[sflag:s4] =	ssyncadd.s32 $0xFFFFFFF8  }
0xb: {  	v0 =	vld.msk [tilespmem:$0x0], $0xff;
	_ =	sdelay $0x4  }
0xc: {  	v1 =	vshll.u32 v0, $0x2  }
0xd: {  	v2 =	vlaneseq.u32;
	v3 =	vand.u32 $0x7, v0;
	v1 =	vand.u32 $0xFFFFFFE0, v1  }
0xe: {  	v0 =	vand.u32 $0x7, v2;
	v2 =	vshrl.u32 v2, $0x3;
	v3 =	vor.u32 v3, v1  }
0xf: {  	v1 =	vmul.u32 $0x8, v2;
	v2 =	vperm.xlane v3, v0;
	_ =	sdelay $0x1  }
0x10: {  	v2 =	vadd.s32 v1, v2;
	_ =	sdelay $0x1  }
0x11: {  	s12 =	ssub.s32 $0x2, s6  }
0x12: {  	s13 =	sshrl.u32 s12, $0x1  }
0x13: {  	vm0 =	vmmov $0xffff;
	s8 =	simm.s32 $0x880;
	s6 =	simm.s32 $0x80;
	s12 =	ssub.s32 s12, s13  }
0x14: {  	[tilespmem:s6], [sflag:$0x1] =	stream.indirect_vreg.gather [hbm4b:s1+s3], $0x80, v2, vm0, $0xb8;
	[tilespmem:$0x1080] =	vst v63  }
0x15: {  	s9 =	simm.s32 $0x1;
	s7 =	sadd.s32 $0x100, s1;
	s31 =	smax.u32 s12, $0x1  }
0x16: {  	[tilespmem:s8], [sflag:$0x1] =	stream.indirect_vreg.gather [hbm4b:s7+s3], $0x80, v2, vm0, $0xb8;
	[tilespmem:$0x1080] =	vst v63  }
0x17: {  	p0 =	sne.s32 s31, $0x1;
	_ =	swait.ge [sflag:s9], $0x1000  }
.Ltmp0:
0x18: {  	s11 =	sshll.u32 s11, $0x6;
	[sflag:s9] =	ssyncset.done $0x0;
	(pc) =	sbr.rel @!p0 .LBB2_2-.Ltmp0, $4  }
0x19: {  	s10 =	sadd.s32 s10, s11;
	[sflag:s9] =	ssyncadd.s32 $0xFFFFF000  }
0x1a: {  	[hbm4b:s10+s3] =	stream.linear.scatter [tilespmem:s6], [sflag:$0x2], $0x1000, $0x38;
	[tilespmem:$0x1080] =	vst v63  }
0x1b: {  	_ =	swait.ge [sflag:s4], $0x1000  }
0x1c: {  	s11 =	sadd.s32 $0xFFFFFFFF, s31;
	[sflag:s4] =	ssyncset.done $0x0  }
.LBB2_1:
0x1d: {  	p0 =	sne.s32 s11, $0x1;
	s11 =	sadd.s32 $0xFFFFFFFF, s11;
	[sflag:s4] =	ssyncadd.s32 $0xFFFFF000  }
0x1e: {  	[tilespmem:s3], [sflag:$0x2] =	stream.linear.gather [hbm4b:s5+s3], $0x8, $0x38;
	[tilespmem:$0x1080] =	vst v63  }
0x1f: {  	_ =	swait.ge [sflag:s4], $0x8  }
0x20: {  	[sflag:s4] =	ssyncset.done $0x0  }
0x21: {  	[sflag:s4] =	ssyncadd.s32 $0xFFFFFFF8  }
0x22: {  	v2 =	vld.msk [tilespmem:$0x0], $0xff;
	_ =	sdelay $0x4  }
0x23: {  	v3 =	vshll.u32 v2, $0x2  }
0x24: {  	v2 =	vand.u32 $0x7, v2;
	v3 =	vand.u32 $0xFFFFFFE0, v3  }
0x25: {  	v2 =	vor.u32 v2, v3  }
0x26: {  	v2 =	vperm.xlane v2, v0;
	_ =	sdelay $0x1  }
0x27: {  	v2 =	vadd.s32 v1, v2;
	_ =	sdelay $0x4  }
0x28: {  	[tilespmem:s6], [sflag:$0x1] =	stream.indirect_vreg.gather [hbm4b:s1+s3], $0x80, v2, vm0, $0xb8;
	[tilespmem:$0x1080] =	vst v63  }
0x29: {  	_ = 	snop  }
0x2a: {  	[tilespmem:s8], [sflag:$0x1] =	stream.indirect_vreg.gather [hbm4b:s7+s3], $0x80, v2, vm0, $0xb8;
	[tilespmem:$0x1080] =	vst v63  }
0x2b: {  	_ =	swait.ge [sflag:s9], $0x1000  }
.Ltmp1:
0x2c: {  	[sflag:s9] =	ssyncset.done $0x0;
	(pc) =	sbr.rel @p0 .LBB2_1-.Ltmp1, $4  }
0x2d: {  	[sflag:s9] =	ssyncadd.s32 $0xFFFFF000  }
0x2e: {  	[hbm4b:s10+s3] =	stream.linear.scatter [tilespmem:s6], [sflag:$0x2], $0x1000, $0x38;
	[tilespmem:$0x1080] =	vst v63  }
0x2f: {  	_ =	swait.ge [sflag:s4], $0x1000  }
0x30: {  	[sflag:s4] =	ssyncset.done $0x0  }
.LBB2_2:
0x31: {  	[sflag:s4] =	ssyncadd.s32 $0xFFFFF000  }
0x32: {  	_ =	sfence.sel $0x180000  }
0x33: {  	[bflag:$0x0] =	sbarrier.arrive $0xFFFF  }
0x34: {  	p0 =	sne.s32 s0, $0x0;
	_ =	strace $0x90000047  }
0x35: {  	s0 =	sadd.s32 @!p0 $0x100000, s2;
	[bflag:$0x2] =	sbarrier.arrive $0xFFFF  }
0x36: {  	[sflag:s0] =	ssyncadd.tile.s32 @!p0 $0x1;
	_ =	shalt  }
.Lfunc_end2:
_tile_overlayer_lowered:
.L_overlay_start_2:
0x37: {  	(tag) =	ssettag $0x2  }
0x38: {  	s0 =	rddreg [dreg:$0x0];
	s2 =	stileid.u32  }
0x39: {  	s1 =	rddreg [dreg:$0x1];
	p0 =	sne.s32 s2, $0x0  }
0x3a: {  	s3 =	rddreg [dreg:$0x2];
	[bflag:$0x3] =	sbarrier.arrive $0xFFFF;
	s2 =	simm.s32 @!p0 $0x1C02  }
0x3b: {  	[timem:s3], [sflag:s2] =	dma.local @!p0 [hbm:s0], s1  }
0x3c: {  	s0 =	simm.s32 @!p0 $0x2  }
0x3d: {  	_ =	swait.ge @!p0 [sflag:s0], s1  }
0x3e: {  	s1 =	ssub.s32 @!p0 $0x0, s1;
	[sflag:s0] =	ssyncset.done @!p0 $0x0  }
0x3f: {  	[sflag:s0] =	ssyncadd.s32 @!p0 s1  }
0x40: {  	[bflag:$0x3] =	sbarrier.arrive $0xFFFF  }
0x41: {  	_ =	shalt  }

</sc_bundles>
